<compile_context>
chip_gen: v7x
topology: tpu7x:2x2x1
jax: 0.10.2.dev20260603
libtpu: 0.0.44.dev20260713+nightly
codegen_flags: <defaults>
</compile_context>

<pallas_src>
import jax
import jax.numpy as jnp
from jax import lax
from jax.experimental import pallas as pl
from jax.experimental.pallas import tpu as pltpu
from jax.experimental.pallas import tpu_sc as plsc

FIELD0 = 1000
NUM_IN = 2000
BATCH = 1024
NC = 1
NS = 16
NW = NC * NS
BPW = BATCH // NW
L = 16


def _fm_body(xt_hbm, et_hbm, w_hbm, b_hbm,
             out_hbm, rec_hbm,
             x3_v, w_v, e_v, b_v, o_v, rec_v,
             sem_in, sem_o, sem_r):
    wid = lax.axis_index("s") * NC + lax.axis_index("c")
    base = wid * BPW
    lanes = lax.iota(jnp.int32, L)
    zeros = lanes * 0

    cp_u = pltpu.async_copy(xt_hbm.at[0, pl.ds(base, BPW)], x3_v.at[0], sem_in)
    cp_m = pltpu.async_copy(xt_hbm.at[1, pl.ds(base, BPW)], x3_v.at[1], sem_in)
    cp_r = pltpu.async_copy(xt_hbm.at[2, pl.ds(base, BPW)], x3_v.at[2], sem_in)
    cp_w = pltpu.async_copy(w_hbm, w_v, sem_in)
    cp_e = pltpu.async_copy(et_hbm.at[pl.ds(0, L), pl.ds(0, 128)], e_v, sem_in)
    cp_b = pltpu.async_copy(b_hbm.at[zeros], b_v, sem_in)
    cp_e.wait()

    t0 = plsc.load_gather(e_v, [lanes, zeros])
    t1 = plsc.load_gather(e_v, [lanes, zeros + 1])
    s = (NUM_IN - 2.0) * t0 + 2.0 * t1
    sq = s * s - ((NUM_IN - 2.0) * t0 * t0 + 2.0 * t1 * t1)
    cp_b.wait()
    cb = b_v[...] + 0.5 * jnp.sum(sq)

    cp_u.wait()
    cp_m.wait()
    cp_r.wait()
    cp_w.wait()

    @pl.loop(0, BPW // L)
    def _rows(j):
        sl = pl.ds(j * L, L)
        wu = plsc.load_gather(w_v, [zeros, x3_v[0, sl]])
        wm = plsc.load_gather(w_v, [zeros, x3_v[1, sl] + FIELD0])
        z = wu + wm + cb
        o_v[sl] = 1.0 / (1.0 + jnp.exp(-z))
        rec_v[sl] = jnp.where(x3_v[2, sl] >= 3, 1.0, 0.0)

    cp_o = pltpu.async_copy(o_v, out_hbm.at[pl.ds(base, BPW)], sem_o)
    cp_rec = pltpu.async_copy(rec_v, rec_hbm.at[pl.ds(base, BPW)], sem_r)
    cp_o.wait()
    cp_rec.wait()


def kernel(x, emb_table, W, b):
    xt = x.astype(jnp.int32).T
    et = emb_table.T

    mesh = plsc.VectorSubcoreMesh(core_axis_name="c", subcore_axis_name="s",
                                  num_cores=NC)
    out, rec = pl.kernel(
        _fm_body,
        mesh=mesh,
        out_type=[jax.ShapeDtypeStruct((BATCH,), jnp.float32),
                  jax.ShapeDtypeStruct((BATCH,), jnp.float32)],
        scratch_types=[
            pltpu.VMEM((3, BPW), jnp.int32),
            pltpu.VMEM((1, NUM_IN), jnp.float32),
            pltpu.VMEM((L, 128), jnp.float32),
            pltpu.VMEM((L,), jnp.float32),
            pltpu.VMEM((BPW,), jnp.float32),
            pltpu.VMEM((BPW,), jnp.float32),
            pltpu.SemaphoreType.DMA,
            pltpu.SemaphoreType.DMA,
            pltpu.SemaphoreType.DMA,
        ],
        compiler_params=pltpu.CompilerParams(needs_layout_passes=False),
    )(xt, et, W, b)
    return out.reshape(BATCH, 1), rec.reshape(BATCH, 1)

# --- scband reference (transcript-rebuilt; emitter-appended) ---
"""Pipeline reference for scband-factorization-machine-82205674045607 (READ-ONLY COPY).

The authoritative reference and input builder live on the scoring server;
editing this copy changes nothing except your own understanding.
"""

import jax, jax.numpy as jnp
import numpy as np

FIELD_DIMS = (1000, 1000)
FACT_NUM = 16
BATCH = 1024
NUM_INPUTS = int(sum(FIELD_DIMS))


def setup_inputs(seed: int = 0) -> dict:
    key = jax.random.key(seed)
    k1, k2, k3, k4 = jax.random.split(key, 4)
    # x columns: [user_id, movie_id, rating]; user/movie ids must be < field dim
    x = jax.random.randint(k1, (BATCH, 3), 0, 1000, dtype=jnp.int64)
    emb_table = jax.random.normal(k2, (NUM_INPUTS, FACT_NUM), dtype=jnp.float32) * 0.02
    W = jax.random.normal(k3, (1, NUM_INPUTS), dtype=jnp.float32) * 0.02
    b = jnp.zeros((1,), dtype=jnp.float32)
    return {"x": x, "emb_table": emb_table, "W": W, "b": b}


def reference(x, emb_table, W, b):
    # OneHotEncoder (vectorized, same math as the row loop)
    users = jax.nn.one_hot(x[:, 0], FIELD_DIMS[0], dtype=jnp.float32)
    movies = jax.nn.one_hot(x[:, 1], FIELD_DIMS[1], dtype=jnp.float32)
    recommended = (x[:, 2] >= 3).astype(jnp.float32)[:, None]
    encoded = jnp.concatenate([users, movies], axis=1)  # [B, NUM_INPUTS]

    # embedding lookup on the 0/1 one-hot values (faithful to torch code)
    idx = encoded.astype(jnp.int32)
    e = jnp.take(emb_table, idx, axis=0)  # [B, NUM_INPUTS, FACT_NUM]
    square_of_sum = jnp.power(e.sum(axis=1), 2)       # [B, FACT_NUM]
    sum_of_square = jnp.power(e, 2).sum(axis=1)       # [B, FACT_NUM]
    interaction_dif = 0.5 * (square_of_sum - sum_of_square).sum(axis=1)  # [B]

    l = encoded @ W.T + b  # [B, 1]
    out = jax.nn.sigmoid(l + interaction_dif[:, None])
    return (out, recommended)

if __name__ == "__main__":
    import jax
    _d = setup_inputs()
    print(jax.jit(kernel)(*tuple(_d.values())))

</pallas_src>

<mosaic_0001>
#map = affine_map<(d0, d1) -> (0, 0)>
#map1 = affine_map<(d0, d1) -> (0)>
module attributes {stable_mosaic.version = 14 : i64} {
  func.func @_fm_body(%arg0: i32, %arg1: i32, %arg2: memref<3x1024xi32, #tpu.memory_space<hbm>>, %arg3: memref<16x2000xf32, #tpu.memory_space<hbm>>, %arg4: memref<1x2000xf32, #tpu.memory_space<hbm>>, %arg5: memref<1xf32, #tpu.memory_space<hbm>>, %arg6: memref<1024xf32, #tpu.memory_space<hbm>>, %arg7: memref<1024xf32, #tpu.memory_space<hbm>>, %arg8: memref<3x64xi32, #tpu.memory_space<vmem>>, %arg9: memref<1x2000xf32, #tpu.memory_space<vmem>>, %arg10: memref<16x128xf32, #tpu.memory_space<vmem>>, %arg11: memref<16xf32, #tpu.memory_space<vmem>>, %arg12: memref<64xf32, #tpu.memory_space<vmem>>, %arg13: memref<64xf32, #tpu.memory_space<vmem>>, %arg14: memref<!tpu.dma_semaphore, #tpu.memory_space<semaphore_mem>>, %arg15: memref<!tpu.dma_semaphore, #tpu.memory_space<semaphore_mem>>, %arg16: memref<!tpu.dma_semaphore, #tpu.memory_space<semaphore_mem>>) attributes {dimension_semantics = [#tpu.dimension_semantics<core_parallel>, #tpu.dimension_semantics<subcore_parallel>], iteration_bounds = array<i64: 1, 16>, scalar_prefetch = 0 : i64, scratch_operands = 9 : i64, tpu.core_type = #tpu.core_type<sc_vector_subcore>, window_params = [{transform_indices = #map}, {transform_indices = #map}, {transform_indices = #map}, {transform_indices = #map1}, {transform_indices = #map1}, {transform_indices = #map1}]} {
    %mul3A = arith.constant 1 : i32
    %mul3A_0 = arith.muli %arg1, %mul3A : i32
    %add3A = arith.addi %mul3A_0, %arg0 : i32
    %mul3A_1 = arith.constant 64 : i32
    %mul3A_2 = arith.muli %add3A, %mul3A_1 : i32
    %iota3A = tpu.iota {dimensions = array<i32: 0>} : vector<16xi32>
    %mul3A_3 = arith.constant 0 : i32
    %mul3A_4 = vector.broadcast %mul3A_3 : i32 to vector<16xi32>
    %mul3A_5 = arith.muli %iota3A, %mul3A_4 : vector<16xi32>
    %dma_start3A = arith.constant 0 : i32
    %dma_start3A_6 = arith.constant 0 : i32
    %dma_start3A_7 = arith.constant 0 : i32
    %dma_start3A_8 = tpu.memref_slice %arg8[%dma_start3A_6, %dma_start3A_7] : memref<3x64xi32, #tpu.memory_space<vmem>> -> memref<1x64xi32, #tpu.memory_space<vmem>>
    %dma_start3A_9 = tpu.memref_squeeze %dma_start3A_8 : memref<1x64xi32, #tpu.memory_space<vmem>> -> memref<64xi32, #tpu.memory_space<vmem>>
    %dma_start3A_10 = tpu.memref_slice %arg2[%dma_start3A, %mul3A_2] : memref<3x1024xi32, #tpu.memory_space<hbm>> -> memref<1x64xi32, #tpu.memory_space<hbm>>
    %dma_start3A_11 = tpu.memref_squeeze %dma_start3A_10 : memref<1x64xi32, #tpu.memory_space<hbm>> -> memref<64xi32, #tpu.memory_space<hbm>>
    %dma_start3A_12 = arith.constant 0 : i32
    %dma_start3A_13 = tpu.memref_slice %arg8[%dma_start3A_6, %dma_start3A_12] : memref<3x64xi32, #tpu.memory_space<vmem>> -> memref<1x64xi32, #tpu.memory_space<vmem>>
    %dma_start3A_14 = tpu.memref_squeeze %dma_start3A_13 : memref<1x64xi32, #tpu.memory_space<vmem>> -> memref<64xi32, #tpu.memory_space<vmem>>
    %dma_start3A_15 = tpu.memref_slice %arg2[%dma_start3A, %mul3A_2] : memref<3x1024xi32, #tpu.memory_space<hbm>> -> memref<1x64xi32, #tpu.memory_space<hbm>>
    %dma_start3A_16 = tpu.memref_squeeze %dma_start3A_15 : memref<1x64xi32, #tpu.memory_space<hbm>> -> memref<64xi32, #tpu.memory_space<hbm>>
    tpu.enqueue_dma source(%dma_start3A_16 : memref<64xi32, #tpu.memory_space<hbm>>) target(%dma_start3A_14 : memref<64xi32, #tpu.memory_space<vmem>>) target_semaphore(%arg14 : memref<!tpu.dma_semaphore, #tpu.memory_space<semaphore_mem>>)
    %dma_start3A_17 = arith.constant 1 : i32
    %dma_start3A_18 = arith.constant 1 : i32
    %dma_start3A_19 = arith.constant 0 : i32
    %dma_start3A_20 = tpu.memref_slice %arg8[%dma_start3A_18, %dma_start3A_19] : memref<3x64xi32, #tpu.memory_space<vmem>> -> memref<1x64xi32, #tpu.memory_space<vmem>>
    %dma_start3A_21 = tpu.memref_squeeze %dma_start3A_20 : memref<1x64xi32, #tpu.memory_space<vmem>> -> memref<64xi32, #tpu.memory_space<vmem>>
    %dma_start3A_22 = tpu.memref_slice %arg2[%dma_start3A_17, %mul3A_2] : memref<3x1024xi32, #tpu.memory_space<hbm>> -> memref<1x64xi32, #tpu.memory_space<hbm>>
    %dma_start3A_23 = tpu.memref_squeeze %dma_start3A_22 : memref<1x64xi32, #tpu.memory_space<hbm>> -> memref<64xi32, #tpu.memory_space<hbm>>
    %dma_start3A_24 = arith.constant 0 : i32
    %dma_start3A_25 = tpu.memref_slice %arg8[%dma_start3A_18, %dma_start3A_24] : memref<3x64xi32, #tpu.memory_space<vmem>> -> memref<1x64xi32, #tpu.memory_space<vmem>>
    %dma_start3A_26 = tpu.memref_squeeze %dma_start3A_25 : memref<1x64xi32, #tpu.memory_space<vmem>> -> memref<64xi32, #tpu.memory_space<vmem>>
    %dma_start3A_27 = tpu.memref_slice %arg2[%dma_start3A_17, %mul3A_2] : memref<3x1024xi32, #tpu.memory_space<hbm>> -> memref<1x64xi32, #tpu.memory_space<hbm>>
    %dma_start3A_28 = tpu.memref_squeeze %dma_start3A_27 : memref<1x64xi32, #tpu.memory_space<hbm>> -> memref<64xi32, #tpu.memory_space<hbm>>
    tpu.enqueue_dma source(%dma_start3A_28 : memref<64xi32, #tpu.memory_space<hbm>>) target(%dma_start3A_26 : memref<64xi32, #tpu.memory_space<vmem>>) target_semaphore(%arg14 : memref<!tpu.dma_semaphore, #tpu.memory_space<semaphore_mem>>)
    %dma_start3A_29 = arith.constant 2 : i32
    %dma_start3A_30 = arith.constant 2 : i32
    %dma_start3A_31 = arith.constant 0 : i32
    %dma_start3A_32 = tpu.memref_slice %arg8[%dma_start3A_30, %dma_start3A_31] : memref<3x64xi32, #tpu.memory_space<vmem>> -> memref<1x64xi32, #tpu.memory_space<vmem>>
    %dma_start3A_33 = tpu.memref_squeeze %dma_start3A_32 : memref<1x64xi32, #tpu.memory_space<vmem>> -> memref<64xi32, #tpu.memory_space<vmem>>
    %dma_start3A_34 = tpu.memref_slice %arg2[%dma_start3A_29, %mul3A_2] : memref<3x1024xi32, #tpu.memory_space<hbm>> -> memref<1x64xi32, #tpu.memory_space<hbm>>
    %dma_start3A_35 = tpu.memref_squeeze %dma_start3A_34 : memref<1x64xi32, #tpu.memory_space<hbm>> -> memref<64xi32, #tpu.memory_space<hbm>>
    %dma_start3A_36 = arith.constant 0 : i32
    %dma_start3A_37 = tpu.memref_slice %arg8[%dma_start3A_30, %dma_start3A_36] : memref<3x64xi32, #tpu.memory_space<vmem>> -> memref<1x64xi32, #tpu.memory_space<vmem>>
    %dma_start3A_38 = tpu.memref_squeeze %dma_start3A_37 : memref<1x64xi32, #tpu.memory_space<vmem>> -> memref<64xi32, #tpu.memory_space<vmem>>
    %dma_start3A_39 = tpu.memref_slice %arg2[%dma_start3A_29, %mul3A_2] : memref<3x1024xi32, #tpu.memory_space<hbm>> -> memref<1x64xi32, #tpu.memory_space<hbm>>
    %dma_start3A_40 = tpu.memref_squeeze %dma_start3A_39 : memref<1x64xi32, #tpu.memory_space<hbm>> -> memref<64xi32, #tpu.memory_space<hbm>>
    tpu.enqueue_dma source(%dma_start3A_40 : memref<64xi32, #tpu.memory_space<hbm>>) target(%dma_start3A_38 : memref<64xi32, #tpu.memory_space<vmem>>) target_semaphore(%arg14 : memref<!tpu.dma_semaphore, #tpu.memory_space<semaphore_mem>>)
    tpu.enqueue_dma source(%arg4 : memref<1x2000xf32, #tpu.memory_space<hbm>>) target(%arg9 : memref<1x2000xf32, #tpu.memory_space<vmem>>) target_semaphore(%arg14 : memref<!tpu.dma_semaphore, #tpu.memory_space<semaphore_mem>>)
    %dma_start3A_41 = arith.constant 0 : i32
    %dma_start3A_42 = arith.constant 0 : i32
    %dma_start3A_43 = tpu.memref_slice %arg3[%dma_start3A_41, %dma_start3A_42] : memref<16x2000xf32, #tpu.memory_space<hbm>> -> memref<16x128xf32, #tpu.memory_space<hbm>>
    %dma_start3A_44 = arith.constant 0 : i32
    %dma_start3A_45 = arith.constant 0 : i32
    %dma_start3A_46 = tpu.memref_slice %arg3[%dma_start3A_44, %dma_start3A_45] : memref<16x2000xf32, #tpu.memory_space<hbm>> -> memref<16x128xf32, #tpu.memory_space<hbm>>
    tpu.enqueue_dma source(%dma_start3A_46 : memref<16x128xf32, #tpu.memory_space<hbm>>) target(%arg10 : memref<16x128xf32, #tpu.memory_space<vmem>>) target_semaphore(%arg14 : memref<!tpu.dma_semaphore, #tpu.memory_space<semaphore_mem>>)
    %dma_start3A_47 = arith.constant 0 : i32
    %dma_start3A_48 = tpu.memref_slice %arg5[%dma_start3A_47] : memref<1xf32, #tpu.memory_space<hbm>> -> memref<1xf32, #tpu.memory_space<hbm>>
    tpu.enqueue_indirect_dma source(%dma_start3A_48 : memref<1xf32, #tpu.memory_space<hbm>>) target(%arg11 : memref<16xf32, #tpu.memory_space<vmem>>) offsets(%mul3A_5 : vector<16xi32>) semaphore(%arg14 : memref<!tpu.dma_semaphore, #tpu.memory_space<semaphore_mem>>)
    %dma_wait3A = arith.constant 0 : i32
    %dma_wait3A_49 = arith.constant 0 : i32
    %dma_wait3A_50 = tpu.memref_slice %arg3[%dma_wait3A, %dma_wait3A_49] : memref<16x2000xf32, #tpu.memory_space<hbm>> -> memref<16x128xf32, #tpu.memory_space<hbm>>
    %dma_wait3A_51 = arith.constant 0 : i32
    %dma_wait3A_52 = arith.constant 0 : i32
    %dma_wait3A_53 = tpu.memref_slice %arg3[%dma_wait3A_51, %dma_wait3A_52] : memref<16x2000xf32, #tpu.memory_space<hbm>> -> memref<16x128xf32, #tpu.memory_space<hbm>>
    tpu.wait_dma2 semaphore(%arg14 : memref<!tpu.dma_semaphore, #tpu.memory_space<semaphore_mem>>) src(%dma_wait3A_53 : memref<16x128xf32, #tpu.memory_space<hbm>>) dst(%arg10 : memref<16x128xf32, #tpu.memory_space<vmem>>)
    %gather3A = tpu.vector_load_idx %arg10[%iota3A, %mul3A_5] : memref<16x128xf32, #tpu.memory_space<vmem>>[vector<16xi32>, vector<16xi32>], vector<16xf32>,
    %add3A_54 = arith.constant 1 : i32
    %add3A_55 = vector.broadcast %add3A_54 : i32 to vector<16xi32>
    %add3A_56 = arith.addi %mul3A_5, %add3A_55 : vector<16xi32>
    %gather3A_57 = tpu.vector_load_idx %arg10[%iota3A, %add3A_56] : memref<16x128xf32, #tpu.memory_space<vmem>>[vector<16xi32>, vector<16xi32>], vector<16xf32>,
    %mul3A_58 = arith.constant 1.998000e+03 : f32
    %mul3A_59 = vector.broadcast %mul3A_58 : f32 to vector<16xf32>
    %mul3A_60 = arith.mulf %mul3A_59, %gather3A : vector<16xf32>
    %mul3A_61 = arith.constant 2.000000e+00 : f32
    %mul3A_62 = vector.broadcast %mul3A_61 : f32 to vector<16xf32>
    %mul3A_63 = arith.mulf %mul3A_62, %gather3A_57 : vector<16xf32>
    %add3A_64 = arith.addf %mul3A_60, %mul3A_63 : vector<16xf32>
    %mul3A_65 = arith.mulf %add3A_64, %add3A_64 : vector<16xf32>
    %mul3A_66 = arith.constant 1.998000e+03 : f32
    %mul3A_67 = vector.broadcast %mul3A_66 : f32 to vector<16xf32>
    %mul3A_68 = arith.mulf %mul3A_67, %gather3A : vector<16xf32>
    %mul3A_69 = arith.mulf %mul3A_68, %gather3A : vector<16xf32>
    %mul3A_70 = arith.constant 2.000000e+00 : f32
    %mul3A_71 = vector.broadcast %mul3A_70 : f32 to vector<16xf32>
    %mul3A_72 = arith.mulf %mul3A_71, %gather3A_57 : vector<16xf32>
    %mul3A_73 = arith.mulf %mul3A_72, %gather3A_57 : vector<16xf32>
    %add3A_74 = arith.addf %mul3A_69, %mul3A_73 : vector<16xf32>
    %sub3A = arith.subf %mul3A_65, %add3A_74 : vector<16xf32>
    %dma_wait3A_75 = arith.constant 0 : i32
    %dma_wait3A_76 = tpu.memref_slice %arg5[%dma_wait3A_75] : memref<1xf32, #tpu.memory_space<hbm>> -> memref<1xf32, #tpu.memory_space<hbm>>
    tpu.wait_indirect_dma semaphore(%arg14 : memref<!tpu.dma_semaphore, #tpu.memory_space<semaphore_mem>>) src(%dma_wait3A_76 : memref<1xf32, #tpu.memory_space<hbm>>) dst(%arg11 : memref<16xf32, #tpu.memory_space<vmem>>)
    %get3A = arith.constant 0 : index
    %get3A_77 = tpu.vector_load %arg11[%get3A] {strides = array<i32>} : memref<16xf32, #tpu.memory_space<vmem>>, vector<16xf32>,
    %reduce_sum3A = arith.constant true
    %reduce_sum3A_78 = vector.broadcast %reduce_sum3A : i1 to vector<16xi1>
    %reduce_sum3A_79 = tpu.scan <sum>, %sub3A masked %reduce_sum3A_78 : vector<16xf32>, vector<16xi1> -> vector<16xf32>
    %reduce_sum3A_80 = vector.extract %reduce_sum3A_79[15] : f32 from vector<16xf32>
    %mul3A_81 = arith.constant 5.000000e-01 : f32
    %mul3A_82 = arith.mulf %mul3A_81, %reduce_sum3A_80 : f32
    %add3A_83 = vector.broadcast %mul3A_82 : f32 to vector<16xf32>
    %add3A_84 = arith.addf %get3A_77, %add3A_83 : vector<16xf32>
    %dma_wait3A_85 = arith.constant 0 : i32
    %dma_wait3A_86 = arith.constant 0 : i32
    %dma_wait3A_87 = arith.constant 0 : i32
    %dma_wait3A_88 = tpu.memref_slice %arg8[%dma_wait3A_86, %dma_wait3A_87] : memref<3x64xi32, #tpu.memory_space<vmem>> -> memref<1x64xi32, #tpu.memory_space<vmem>>
    %dma_wait3A_89 = tpu.memref_squeeze %dma_wait3A_88 : memref<1x64xi32, #tpu.memory_space<vmem>> -> memref<64xi32, #tpu.memory_space<vmem>>
    %dma_wait3A_90 = tpu.memref_slice %arg2[%dma_wait3A_85, %mul3A_2] : memref<3x1024xi32, #tpu.memory_space<hbm>> -> memref<1x64xi32, #tpu.memory_space<hbm>>
    %dma_wait3A_91 = tpu.memref_squeeze %dma_wait3A_90 : memref<1x64xi32, #tpu.memory_space<hbm>> -> memref<64xi32, #tpu.memory_space<hbm>>
    %dma_wait3A_92 = arith.constant 0 : i32
    %dma_wait3A_93 = tpu.memref_slice %arg8[%dma_wait3A_86, %dma_wait3A_92] : memref<3x64xi32, #tpu.memory_space<vmem>> -> memref<1x64xi32, #tpu.memory_space<vmem>>
    %dma_wait3A_94 = tpu.memref_squeeze %dma_wait3A_93 : memref<1x64xi32, #tpu.memory_space<vmem>> -> memref<64xi32, #tpu.memory_space<vmem>>
    %dma_wait3A_95 = tpu.memref_slice %arg2[%dma_wait3A_85, %mul3A_2] : memref<3x1024xi32, #tpu.memory_space<hbm>> -> memref<1x64xi32, #tpu.memory_space<hbm>>
    %dma_wait3A_96 = tpu.memref_squeeze %dma_wait3A_95 : memref<1x64xi32, #tpu.memory_space<hbm>> -> memref<64xi32, #tpu.memory_space<hbm>>
    tpu.wait_dma2 semaphore(%arg14 : memref<!tpu.dma_semaphore, #tpu.memory_space<semaphore_mem>>) src(%dma_wait3A_96 : memref<64xi32, #tpu.memory_space<hbm>>) dst(%dma_wait3A_94 : memref<64xi32, #tpu.memory_space<vmem>>)
    %dma_wait3A_97 = arith.constant 1 : i32
    %dma_wait3A_98 = arith.constant 1 : i32
    %dma_wait3A_99 = arith.constant 0 : i32
    %dma_wait3A_100 = tpu.memref_slice %arg8[%dma_wait3A_98, %dma_wait3A_99] : memref<3x64xi32, #tpu.memory_space<vmem>> -> memref<1x64xi32, #tpu.memory_space<vmem>>
    %dma_wait3A_101 = tpu.memref_squeeze %dma_wait3A_100 : memref<1x64xi32, #tpu.memory_space<vmem>> -> memref<64xi32, #tpu.memory_space<vmem>>
    %dma_wait3A_102 = tpu.memref_slice %arg2[%dma_wait3A_97, %mul3A_2] : memref<3x1024xi32, #tpu.memory_space<hbm>> -> memref<1x64xi32, #tpu.memory_space<hbm>>
    %dma_wait3A_103 = tpu.memref_squeeze %dma_wait3A_102 : memref<1x64xi32, #tpu.memory_space<hbm>> -> memref<64xi32, #tpu.memory_space<hbm>>
    %dma_wait3A_104 = arith.constant 0 : i32
    %dma_wait3A_105 = tpu.memref_slice %arg8[%dma_wait3A_98, %dma_wait3A_104] : memref<3x64xi32, #tpu.memory_space<vmem>> -> memref<1x64xi32, #tpu.memory_space<vmem>>
    %dma_wait3A_106 = tpu.memref_squeeze %dma_wait3A_105 : memref<1x64xi32, #tpu.memory_space<vmem>> -> memref<64xi32, #tpu.memory_space<vmem>>
    %dma_wait3A_107 = tpu.memref_slice %arg2[%dma_wait3A_97, %mul3A_2] : memref<3x1024xi32, #tpu.memory_space<hbm>> -> memref<1x64xi32, #tpu.memory_space<hbm>>
    %dma_wait3A_108 = tpu.memref_squeeze %dma_wait3A_107 : memref<1x64xi32, #tpu.memory_space<hbm>> -> memref<64xi32, #tpu.memory_space<hbm>>
    tpu.wait_dma2 semaphore(%arg14 : memref<!tpu.dma_semaphore, #tpu.memory_space<semaphore_mem>>) src(%dma_wait3A_108 : memref<64xi32, #tpu.memory_space<hbm>>) dst(%dma_wait3A_106 : memref<64xi32, #tpu.memory_space<vmem>>)
    %dma_wait3A_109 = arith.constant 2 : i32
    %dma_wait3A_110 = arith.constant 2 : i32
    %dma_wait3A_111 = arith.constant 0 : i32
    %dma_wait3A_112 = tpu.memref_slice %arg8[%dma_wait3A_110, %dma_wait3A_111] : memref<3x64xi32, #tpu.memory_space<vmem>> -> memref<1x64xi32, #tpu.memory_space<vmem>>
    %dma_wait3A_113 = tpu.memref_squeeze %dma_wait3A_112 : memref<1x64xi32, #tpu.memory_space<vmem>> -> memref<64xi32, #tpu.memory_space<vmem>>
    %dma_wait3A_114 = tpu.memref_slice %arg2[%dma_wait3A_109, %mul3A_2] : memref<3x1024xi32, #tpu.memory_space<hbm>> -> memref<1x64xi32, #tpu.memory_space<hbm>>
    %dma_wait3A_115 = tpu.memref_squeeze %dma_wait3A_114 : memref<1x64xi32, #tpu.memory_space<hbm>> -> memref<64xi32, #tpu.memory_space<hbm>>
    %dma_wait3A_116 = arith.constant 0 : i32
    %dma_wait3A_117 = tpu.memref_slice %arg8[%dma_wait3A_110, %dma_wait3A_116] : memref<3x64xi32, #tpu.memory_space<vmem>> -> memref<1x64xi32, #tpu.memory_space<vmem>>
    %dma_wait3A_118 = tpu.memref_squeeze %dma_wait3A_117 : memref<1x64xi32, #tpu.memory_space<vmem>> -> memref<64xi32, #tpu.memory_space<vmem>>
    %dma_wait3A_119 = tpu.memref_slice %arg2[%dma_wait3A_109, %mul3A_2] : memref<3x1024xi32, #tpu.memory_space<hbm>> -> memref<1x64xi32, #tpu.memory_space<hbm>>
    %dma_wait3A_120 = tpu.memref_squeeze %dma_wait3A_119 : memref<1x64xi32, #tpu.memory_space<hbm>> -> memref<64xi32, #tpu.memory_space<hbm>>
    tpu.wait_dma2 semaphore(%arg14 : memref<!tpu.dma_semaphore, #tpu.memory_space<semaphore_mem>>) src(%dma_wait3A_120 : memref<64xi32, #tpu.memory_space<hbm>>) dst(%dma_wait3A_118 : memref<64xi32, #tpu.memory_space<vmem>>)
    tpu.wait_dma2 semaphore(%arg14 : memref<!tpu.dma_semaphore, #tpu.memory_space<semaphore_mem>>) src(%arg4 : memref<1x2000xf32, #tpu.memory_space<hbm>>) dst(%arg9 : memref<1x2000xf32, #tpu.memory_space<vmem>>)
    %scan3A = arith.constant 0 : i32
    %scan3A_121 = arith.constant 4 : i32
    %scan3A_122 = arith.addi %scan3A, %scan3A_121 : i32
    %scan3A_123 = arith.constant 1 : i32
    scf.for %scan3A_133 = %scan3A to %scan3A_122 step %scan3A_123  : i32 {
      %mul3A_134 = arith.constant 1 : i32
      %mul3A_135 = arith.muli %scan3A_133, %mul3A_134 : i32
      %add3A_136 = arith.constant 0 : i32
      %add3A_137 = arith.addi %add3A_136, %mul3A_135 : i32
      %mul3A_138 = arith.constant 16 : i32
      %mul3A_139 = arith.muli %add3A_137, %mul3A_138 : i32
      %get3A_140 = arith.constant 0 : i32
      %get3A_141 = arith.index_cast %get3A_140 : i32 to index
      %get3A_142 = arith.index_cast %mul3A_139 : i32 to index
      %get3A_143 = tpu.vector_load %arg8[%get3A_141, %get3A_142] {strides = array<i32>} : memref<3x64xi32, #tpu.memory_space<vmem>>, vector<16xi32>,
      %gather3A_144 = tpu.vector_load_idx %arg9[%mul3A_5, %get3A_143] : memref<1x2000xf32, #tpu.memory_space<vmem>>[vector<16xi32>, vector<16xi32>], vector<16xf32>,
      %get3A_145 = arith.constant 1 : i32
      %get3A_146 = arith.index_cast %get3A_145 : i32 to index
      %get3A_147 = arith.index_cast %mul3A_139 : i32 to index
      %get3A_148 = tpu.vector_load %arg8[%get3A_146, %get3A_147] {strides = array<i32>} : memref<3x64xi32, #tpu.memory_space<vmem>>, vector<16xi32>,
      %add3A_149 = arith.constant 1000 : i32
      %add3A_150 = vector.broadcast %add3A_149 : i32 to vector<16xi32>
      %add3A_151 = arith.addi %get3A_148, %add3A_150 : vector<16xi32>
      %gather3A_152 = tpu.vector_load_idx %arg9[%mul3A_5, %add3A_151] : memref<1x2000xf32, #tpu.memory_space<vmem>>[vector<16xi32>, vector<16xi32>], vector<16xf32>,
      %add3A_153 = arith.addf %gather3A_144, %gather3A_152 : vector<16xf32>
      %add3A_154 = arith.addf %add3A_153, %add3A_84 : vector<16xf32>
      %neg3A = arith.constant 0.000000e+00 : f32
      %neg3A_155 = vector.broadcast %neg3A : f32 to vector<16xf32>
      %neg3A_156 = arith.subf %neg3A_155, %add3A_154 : vector<16xf32>
      %exp3A = math.exp %neg3A_156 : vector<16xf32>
      %add3A_157 = arith.constant 1.000000e+00 : f32
      %add3A_158 = vector.broadcast %add3A_157 : f32 to vector<16xf32>
      %add3A_159 = arith.addf %add3A_158, %exp3A : vector<16xf32>
      %div3A = arith.constant 1.000000e+00 : f32
      %div3A_160 = vector.broadcast %div3A : f32 to vector<16xf32>
      %div3A_161 = arith.divf %div3A_160, %add3A_159 : vector<16xf32>
      %swap3A = arith.index_cast %mul3A_139 : i32 to index
      %swap3A_162 = tpu.vector_load %arg12[%swap3A] {strides = array<i32>} : memref<64xf32, #tpu.memory_space<vmem>>, vector<16xf32>,
      tpu.vector_store %arg12[%swap3A], %div3A_161 {strides = array<i32>} : memref<64xf32, #tpu.memory_space<vmem>>, vector<16xf32>,
      %get3A_163 = arith.constant 2 : i32
      %get3A_164 = arith.index_cast %get3A_163 : i32 to index
      %get3A_165 = arith.index_cast %mul3A_139 : i32 to index
      %get3A_166 = tpu.vector_load %arg8[%get3A_164, %get3A_165] {strides = array<i32>} : memref<3x64xi32, #tpu.memory_space<vmem>>, vector<16xi32>,
      %ge3A = arith.constant 3 : i32
      %ge3A_167 = vector.broadcast %ge3A : i32 to vector<16xi32>
      %ge3A_168 = arith.cmpi sge, %get3A_166, %ge3A_167 : vector<16xi32>
      %jit3A = arith.constant 1.000000e+00 : f32
      %jit3A_169 = arith.constant 0.000000e+00 : f32
      %broadcast_in_dim3A = vector.broadcast %jit3A : f32 to vector<16xf32>
      %broadcast_in_dim3A_170 = vector.broadcast %jit3A_169 : f32 to vector<16xf32>
      %select_n3A = arith.select %ge3A_168, %broadcast_in_dim3A, %broadcast_in_dim3A_170 : vector<16xi1>, vector<16xf32>
      %swap3A_171 = arith.index_cast %mul3A_139 : i32 to index
      %swap3A_172 = tpu.vector_load %arg13[%swap3A_171] {strides = array<i32>} : memref<64xf32, #tpu.memory_space<vmem>>, vector<16xf32>,
      tpu.vector_store %arg13[%swap3A_171], %select_n3A {strides = array<i32>} : memref<64xf32, #tpu.memory_space<vmem>>, vector<16xf32>,
    }
    %scan3A_124 = arith.constant 4 : i32
    %dma_start3A_125 = tpu.memref_slice %arg6[%mul3A_2] : memref<1024xf32, #tpu.memory_space<hbm>> -> memref<64xf32, #tpu.memory_space<hbm>>
    %dma_start3A_126 = tpu.memref_slice %arg6[%mul3A_2] : memref<1024xf32, #tpu.memory_space<hbm>> -> memref<64xf32, #tpu.memory_space<hbm>>
    tpu.enqueue_dma source(%arg12 : memref<64xf32, #tpu.memory_space<vmem>>) target(%dma_start3A_126 : memref<64xf32, #tpu.memory_space<hbm>>) target_semaphore(%arg15 : memref<!tpu.dma_semaphore, #tpu.memory_space<semaphore_mem>>)
    %dma_start3A_127 = tpu.memref_slice %arg7[%mul3A_2] : memref<1024xf32, #tpu.memory_space<hbm>> -> memref<64xf32, #tpu.memory_space<hbm>>
    %dma_start3A_128 = tpu.memref_slice %arg7[%mul3A_2] : memref<1024xf32, #tpu.memory_space<hbm>> -> memref<64xf32, #tpu.memory_space<hbm>>
    tpu.enqueue_dma source(%arg13 : memref<64xf32, #tpu.memory_space<vmem>>) target(%dma_start3A_128 : memref<64xf32, #tpu.memory_space<hbm>>) target_semaphore(%arg16 : memref<!tpu.dma_semaphore, #tpu.memory_space<semaphore_mem>>)
    %dma_wait3A_129 = tpu.memref_slice %arg6[%mul3A_2] : memref<1024xf32, #tpu.memory_space<hbm>> -> memref<64xf32, #tpu.memory_space<hbm>>
    %dma_wait3A_130 = tpu.memref_slice %arg6[%mul3A_2] : memref<1024xf32, #tpu.memory_space<hbm>> -> memref<64xf32, #tpu.memory_space<hbm>>
    tpu.wait_dma2 semaphore(%arg15 : memref<!tpu.dma_semaphore, #tpu.memory_space<semaphore_mem>>) src(%arg12 : memref<64xf32, #tpu.memory_space<vmem>>) dst(%dma_wait3A_130 : memref<64xf32, #tpu.memory_space<hbm>>)
    %dma_wait3A_131 = tpu.memref_slice %arg7[%mul3A_2] : memref<1024xf32, #tpu.memory_space<hbm>> -> memref<64xf32, #tpu.memory_space<hbm>>
    %dma_wait3A_132 = tpu.memref_slice %arg7[%mul3A_2] : memref<1024xf32, #tpu.memory_space<hbm>> -> memref<64xf32, #tpu.memory_space<hbm>>
    tpu.wait_dma2 semaphore(%arg16 : memref<!tpu.dma_semaphore, #tpu.memory_space<semaphore_mem>>) src(%arg13 : memref<64xf32, #tpu.memory_space<vmem>>) dst(%dma_wait3A_132 : memref<64xf32, #tpu.memory_space<hbm>>)
    return
  }
}

</mosaic_0001>

<sc_bundles>
// kernel: kernel.3.cloned.1.call-start
scs
__scs_entry_jumppad:
0x0: {  	(pc) =	sbr.rel $0x88, $3  }
0x1: {  	(tag) =	ssettag $0x0;
	lr =	simm.s32 $0x1  }
0x2: {  	[smem:$0x3F9D] =	sst lr;
	_ =	strace $0xD0000000  }
0x3: {  	_ = 	snop  }
0x4: {  	_ = 	snop  }
0x5: {  	_ = 	snop  }
0x6: {  	_ = 	snop  }
0x7: {  	_ = 	snop  }
__scs_overlays_trampoline_lowered:
0x8: {  	[smem:$0x3FAC] =	sst s0  }
0x9: {  	[smem:$0x3FAD] =	sst s1  }
0xa: {  	[smem:$0x3FAE] =	sst s2  }
0xb: {  	[smem:$0x3FAF] =	sst s3  }
0xc: {  	[smem:$0x3FB0] =	sst s4  }
0xd: {  	[smem:$0x3FB1] =	sst s5  }
0xe: {  	[smem:$0x3FB2] =	sst s6  }
0xf: {  	[smem:$0x3FB3] =	sst s7  }
0x10: {  	[smem:$0x3FB4] =	sst s8  }
0x11: {  	[smem:$0x3FB5] =	sst s9;
	s0 =	simm.s32 @!p0 $0x0  }
0x12: {  	s1 =	sld [smem:$0x3F9B];
	s0 =	simm.s32 @p0 $0x1  }
0x13: {  	[smem:$0x3FB6] =	sst s0;
	s0 =	simm.s32 @!p1 $0x0  }
0x14: {  	s2 =	sld [smem:$0x3F9A];
	s0 =	simm.s32 @p1 $0x1  }
0x15: {  	[smem:$0x3FB7] =	sst s0;
	s0 =	simm.s32 @!p2 $0x0  }
0x16: {  	s3 =	sld [smem:$0x3FDB];
	s0 =	simm.s32 @p2 $0x1  }
0x17: {  	s4 =	simm.s32 $0x1BF5;
	[smem:$0x3FB9] =	sst s0  }
0x18: {  	s0 =	sld [smem:$0x3F9C];
	_ =	swait.ge [sflag:s4], $0x0  }
0x19: {  	s7 =	sld [smem:$0x3F9D]  }
0x1a: {  	s8 =	sadd.s32 $0xFFFFE003, lr  }
0x1b: {  	s9 =	sadd.s32 $0xFFFFFEF7, lr;
	s5 =	simm.s32 $0xFFFFFFFF;
	p2 =	slt.u32 s8, $0xFFFFF086  }
0x1c: {  	p1 =	slt.u32 s9, $0xF7A;
	s5 =	simm.s32 @!p2 $0x0  }
0x1d: {  	s5 =	simm.s32 @p1 $0x1;
	p0 =	seq.s32 s7, s2  }
0x1e: {  	s7 =	smul.u32 @!p0 $0xF7A, s2;
	p2 =	seq.s32 @!p0 s5, $0x0  }
0x1f: {  	s9 =	smul.u32 $0xF7A, s1;
	s8 =	simm.s32 @!p0 $0x1BF5;
	p2 =	por !p2, p0  }
0x20: {  	[sflag:s8] =	ssyncset.s32 @!p0 $0xFFFFF086;
	s6 =	sadd.s32 @!p0 s3, s7;
	s7 =	simm.s32 @!p0 $0x108  }
0x21: {  	s3 =	sadd.s32 s3, s9;
	s6 =	sadd.s32 @!p0 $0x88, s6;
	s7 =	simm.s32 @p2 $0x1082  }
0x22: {  	[simem:s7], [sflag:s8] =	dma.local @!p0 [hbm:s6], $0xF7A  }
0x23: {  	s9 =	sor.u32 $0xD0000000, s2;
	s6 =	simm.s32 $0x108;
	_ =	swait.ge @!p0 [sflag:s8], $0x0  }
0x24: {  	s3 =	sadd.s32 $0x88, s3;
	s6 =	simm.s32 @!p1 $0x1082;
	[sflag:s4] =	ssyncset.s32 $0xFFFFF086  }
0x25: {  	[simem:s6], [sflag:s4] =	dma.local [hbm:s3], $0xF7A  }
0x26: {  	[smem:$0x3F9D] =	sst s1;
	(tag) =	ssettag s2;
	_ =	strace s9  }
0x27: {  	s1 =	sld [smem:$0x3FAD]  }
0x28: {  	s2 =	sld [smem:$0x3FAE]  }
0x29: {  	s4 =	sld [smem:$0x3FB0]  }
0x2a: {  	p0 =	seq.s32 s5, $0x0;
	s5 =	sld [smem:$0x3FB1]  }
0x2b: {  	s6 =	sld [smem:$0x3FB2]  }
0x2c: {  	s7 =	sld [smem:$0x3FB3]  }
0x2d: {  	s3 =	simm.s32 $0x108;
	s8 =	sld [smem:$0x3FB4]  }
0x2e: {  	s3 =	simm.s32 @!p0 $0x1082;
	s9 =	sld [smem:$0x3FB5]  }
0x2f: {  	lr =	sadd.s32 s0, s3;
	s0 =	sld [smem:$0x3FAC]  }
0x30: {  	s3 =	sld [smem:$0x3FAF]  }
0x31: {  	[smem:$0x3FB8] =	sst s10  }
0x32: {  	s10 =	sld [smem:$0x3FB6];
	_ =	sdelay $0x3  }
0x33: {  	p0 =	seq.s32 s10, $0x1;
	s10 =	sld [smem:$0x3FB8];
	_ =	sdelay $0x3  }
0x34: {  	[smem:$0x3FB8] =	sst s10  }
0x35: {  	s10 =	sld [smem:$0x3FB7];
	_ =	sdelay $0x3  }
0x36: {  	p1 =	seq.s32 s10, $0x1;
	s10 =	sld [smem:$0x3FB8];
	_ =	sdelay $0x3  }
0x37: {  	[smem:$0x3FB8] =	sst s10  }
0x38: {  	s10 =	sld [smem:$0x3FB9]  }
0x39: {  	_ = 	snop;
	(pc) =	sbr.ind lr, $3  }
0x3a: {  	_ = 	snop  }
0x3b: {  	_ = 	snop  }
0x3c: {  	p2 =	seq.s32 s10, $0x1;
	s10 =	sld [smem:$0x3FB8]  }
0x3d: {  	_ =	shalt  }
0x3e: {  	_ =	shalt  }
0x3f: {  	_ =	shalt  }
0x40: {  	_ =	shalt  }
0x41: {  	_ =	shalt  }
0x42: {  	_ =	shalt  }
0x43: {  	_ =	shalt  }
0x44: {  	_ =	shalt  }
0x45: {  	_ =	shalt  }
0x46: {  	_ =	shalt  }
0x47: {  	_ =	shalt  }
0x48: {  	_ =	shalt  }
0x49: {  	_ =	shalt  }
0x4a: {  	_ =	shalt  }
0x4b: {  	_ =	shalt  }
0x4c: {  	_ =	shalt  }
0x4d: {  	_ =	shalt  }
0x4e: {  	_ =	shalt  }
0x4f: {  	_ =	shalt  }
0x50: {  	_ =	shalt  }
0x51: {  	_ =	shalt  }
0x52: {  	_ =	shalt  }
0x53: {  	_ =	shalt  }
0x54: {  	_ =	shalt  }
0x55: {  	_ =	shalt  }
0x56: {  	_ =	shalt  }
0x57: {  	_ =	shalt  }
0x58: {  	_ =	shalt  }
0x59: {  	_ =	shalt  }
0x5a: {  	_ =	shalt  }
0x5b: {  	_ =	shalt  }
0x5c: {  	_ =	shalt  }
0x5d: {  	_ =	shalt  }
0x5e: {  	_ =	shalt  }
0x5f: {  	_ =	shalt  }
0x60: {  	_ =	shalt  }
0x61: {  	_ =	shalt  }
0x62: {  	_ =	shalt  }
0x63: {  	_ =	shalt  }
0x64: {  	_ =	shalt  }
0x65: {  	_ =	shalt  }
0x66: {  	_ =	shalt  }
0x67: {  	_ =	shalt  }
0x68: {  	_ =	shalt  }
0x69: {  	_ =	shalt  }
0x6a: {  	_ =	shalt  }
0x6b: {  	_ =	shalt  }
0x6c: {  	_ =	shalt  }
0x6d: {  	_ =	shalt  }
0x6e: {  	_ =	shalt  }
0x6f: {  	_ =	shalt  }
0x70: {  	_ =	shalt  }
0x71: {  	_ =	shalt  }
0x72: {  	_ =	shalt  }
0x73: {  	_ =	shalt  }
0x74: {  	_ =	shalt  }
0x75: {  	_ =	shalt  }
0x76: {  	_ =	shalt  }
0x77: {  	_ =	shalt  }
0x78: {  	_ =	shalt  }
0x79: {  	_ =	shalt  }
0x7a: {  	_ =	shalt  }
0x7b: {  	_ =	shalt  }
0x7c: {  	_ =	shalt  }
0x7d: {  	_ =	shalt  }
0x7e: {  	_ =	shalt  }
0x7f: {  	_ =	shalt  }
0x80: {  	_ =	shalt  }
0x81: {  	_ =	shalt  }
0x82: {  	_ =	shalt  }
0x83: {  	_ =	shalt  }
0x84: {  	_ =	shalt  }
0x85: {  	_ =	shalt  }
0x86: {  	_ =	shalt  }
0x87: {  	_ =	shalt  }
.Lfunc_end0:
.L_simem_size_0:
called_computation_lowered:
.L_overlay_start_0:
0x88: {  	s0 =	sld [smem:$0x3FD9]  }
0x89: {  	s1 =	sld [smem:$0x3FFE];
	_ =	sdelay $0x3  }
0x8a: {  	s0 =	sadd.s32 s1, s0  }
0x8b: {  	[smem:$0x3FC4] =	sst s0  }
0x8c: {  	_ = 	snop  }
0x8d: {  	s0 =	sld [smem:$0x3FC9]  }
0x8e: {  	s14 =	sld [smem:$0x3FD0]  }
0x8f: {  	s2 =	sld [smem:$0x3FC8]  }
0x90: {  	s3 =	sld [smem:$0x3FC7]  }
0x91: {  	s5 =	simm.s32 $0xA;
	s6 =	simm.s32 $0x10;
	s4 =	sld [smem:$0x3FC6]  }
0x92: {  	[smem:s6], [sflag:s5] =	dma.local [hbm:s14], $0x1  }
0x93: {  	_ =	swait.eq [sflag:s5], $0x1  }
0x94: {  	[sflag:s5] =	ssyncset.done $0x0  }
0x95: {  	s15 =	sld [smem:$0x10];
	[sflag:s5] =	ssyncadd.s32 $0xFFFFFFFF  }
0x96: {  	s16 =	sld [smem:$0x11];
	(tm) =	ssettm $0x1  }
0x97: {  	s17 =	sld [smem:$0x3FFB];
	_ =	sdelay $0x3  }
0x98: {  	_ =	strace s17  }
0x99: {  	s6 =	sld [smem:$0x3FFC];
	_ =	sdelay $0x3  }
0x9a: {  	_ =	strace s6  }
0x9b: {  	s6 =	sld [smem:$0x3FFD];
	_ =	sdelay $0x3  }
0x9c: {  	_ =	strace s6  }
0x9d: {  	_ =	strace $0x8FFFFFFF  }
0x9e: {  	s18 =	sld [smem:$0x3FDB];
	_ =	sdelay $0x1  }
0x9f: {  	s7 =	simm.s32 $_scs_section_size  }
0xa0: {  	s8 =	simm.s32 $_size__tile_overlayer_lowered;
	s9 =	simm.s32 $_tile_overlayer_lowered  }
0xa1: {  	s21 =	simm.s32 $0x1BFF;
	s20 =	sshll.u32 s9, $0x1;
	s6 =	sadd.s32 s7, s18  }
0xa2: {  	s10 =	simm.s32 $0x0;
	s19 =	sshll.u32 s8, $0x1;
	s8 =	sadd.s32 s20, s6  }
0xa3: {  	[timem:s10], [sflag:s21] =	dma.local [hbm:s8], s19  }
0xa4: {  	_ =	swait.ge [sflag:s21], s19  }
0xa5: {  	s7 =	ssub.s32 $0x0, s19;
	[sflag:s21] =	ssyncset.done $0x0  }
0xa6: {  	[sflag:s21] =	ssyncadd.s32 s7;
	_ =	sdelay $0x1  }
0xa7: {  	s22 =	simm.s32 $0x1B8B  }
0xa8: {  	_ =	swait.ge [sflag:s22], $0x1  }
0xa9: {  	[sflag:s22] =	ssyncset.done $0x0  }
0xaa: {  	s23 =	simm.s32 $0x1B8E;
	[sflag:s22] =	ssyncadd.s32 $0xFFFFFFFF  }
0xab: {  	s24 =	simm.s32 $execute0_lowered;
	[smem:$0x3FD2] =	sst s23  }
0xac: {  	s7 =	sshll.u32 s24, $0x1;
	_ =	strace $0x80000046;
	[dreg:$0x1] =	wrdreg $0xFFFFFFFF  }
0xad: {  	s25 =	simm.s32 $_size_execute0_lowered;
	s6 =	sadd.s32 s6, s7;
	[dreg:$0x0] =	wrdreg $0x0  }
0xae: {  	s7 =	sshll.u32 s25, $0x1;
	[dreg:$0x2] =	wrdreg s6  }
0xaf: {  	[dreg:$0x3] =	wrdreg s7  }
0xb0: {  	[dreg:$0x4] =	wrdreg $0xC0  }
0xb1: {  	_ =	task [dreg:s10], $0x5FFFF  }
0xb2: {  	[dreg:$0x1] =	wrdreg $0xFFFFFFFF  }
0xb3: {  	[dreg:$0x0] =	wrdreg $0x60  }
0xb4: {  	[dreg:$0x2] =	wrdreg s0  }
0xb5: {  	[dreg:$0x3] =	wrdreg s2  }
0xb6: {  	[dreg:$0x4] =	wrdreg s3  }
0xb7: {  	[dreg:$0x5] =	wrdreg s4  }
0xb8: {  	[dreg:$0x6] =	wrdreg s15  }
0xb9: {  	[dreg:$0x7] =	wrdreg s16  }
0xba: {  	[dreg:$0x8] =	wrdreg $0x9  }
0xbb: {  	_ =	task.clear_ibuf [dreg:s10], $0x9FFFF;
	_ =	strace $0x90000046  }
0xbc: {  	s26 =	simm.s32 $0x9;
	_ =	strace $0x80000048  }
0xbd: {  	_ =	swait.ge [sflag:s26], $0x1  }
0xbe: {  	[sflag:s26] =	ssyncadd.s32 $0xFFFFFFFF  }
0xbf: {  	_ =	strace $0x90000048  }
0xc0: {  	_ =	sfence  }
0xc1: {  	s28 =	sld [smem:$0x0];
	_ =	sdelay $0x1  }
0xc2: {  	s29 =	srdreg.scid  }
0xc3: {  	s30 =	sshll.u32 s29, $0xD;
	s31 =	sshrl.u32 s29, $0x2  }
0xc4: {  	s1 =	sand.u32 $0x1, s29;
	s2 =	sand.u32 $0x4000, s30;
	s0 =	sadd.s32 s31, s28  }
0xc5: {  	s1 =	sor.u32 s2, s1;
	s0 =	sshll.u32 s0, $0x11  }
0xc6: {  	s0 =	sor.u32 s0, s1  }
0xc7: {  	s0 =	sadd.s32 $0x8F2B, s0  }
0xc8: {  	[sflag:s0] =	ssyncadd.remote.s32 $0x1  }
0xc9: {  	_ =	sfence.sel $0xFFFF  }
0xca: {  	[dreg:$0x0] =	wrdreg $0xFFFFFFFF;
	(pc) =	sbr.abs _section_cstart, $3  }
0xcb: {  	[dreg:$0x1] =	wrdreg $0xFFFFFFFF  }
0xcc: {  	_ =	task.clear_ibuf [dreg:s10], $0x2FFFF;
	_ =	strace $0x9FFFFFFF  }
0xcd: {  	(tm) =	ssettm $0x7FFFFFFF  }
tec
execute0_lowered:
.L_overlay_start_1:
0x0: {  	(tag) =	ssettag $0x1  }
0x1: {  	s5 =	rddreg [dreg:$0x0]  }
0x2: {  	s6 =	rddreg [dreg:$0x1]  }
0x3: {  	s7 =	rddreg [dreg:$0x2]  }
0x4: {  	s8 =	rddreg [dreg:$0x3]  }
0x5: {  	s0 =	stileid.u32;
	s2 =	rddreg [dreg:$0x4]  }
0x6: {  	s3 =	rddreg [dreg:$0x5];
	s1 =	sshll.u32 s0, $0x6;
	s9 =	sshll.u32 s0, $0x8  }
0x7: {  	s4 =	simm.s32 $0x0;
	s10 =	sand.u32 $0x40, s1;
	s11 =	sand.u32 $0xE00, s9  }
0x8: {  	[smem:$0x7FF] =	sst s4;
	s11 =	sor.u32 s10, s11  }
0x9: {  	s1 =	rddreg [dreg:$0x6];
	s9 =	sor.u32 s9, s10;
	s11 =	sshrl.u32 s11, $0x3  }
0xa: {  	_ =	strace $0x80000047;
	s9 =	sshrl.u32 s9, $0x3;
	s14 =	sadd.s32 s5, s11  }
0xb: {  	[tilespmem:s4], [sflag:$0x1] =	stream.linear.gather [hbm4b:s14+s4], $0x40, $0x38;
	[tilespmem:$0x1380] =	vst v63  }
0xc: {  	s15 =	simm.s32 $0x80;
	s9 =	sor.u32 $0x20, s9;
	s10 =	sadd.s32 $0x10, s14  }
0xd: {  	[tilespmem:s15], [sflag:$0x1] =	stream.linear.gather [hbm4b:s10+s4], $0x40, $0x38;
	[tilespmem:$0x1380] =	vst v63  }
0xe: {  	s16 =	simm.s32 $0x100;
	s5 =	sadd.s32 s5, s9  }
0xf: {  	[tilespmem:s16], [sflag:$0x1] =	stream.linear.gather [hbm4b:s5+s4], $0x40, $0x38;
	[tilespmem:$0x1380] =	vst v63  }
0x10: {  	s17 =	simm.s32 $0x200;
	v0 =	vimm.s32 $0x0  }
0x11: {  	[tilespmem:s17], [sflag:$0x1] =	stream.linear.gather [hbm4b:s7+s4], $0x800, $0x38;
	[tilespmem:$0x1380] =	vst v63  }
0x12: {  	s18 =	simm.s32 $0x400;
	s19 =	simm.s32 $0x4000;
	s20 =	simm.s32 $0xA00;
	v1 =	vlaneseq.u32  }
0x13: {  	v1 =	vmul.u32 $0x80, v1;
	[tilespmem:s20], [sflag:$0x1] =	stream.strided.gather [hbm4b:s6+s18], $0x800, s19, s18, $0x38;
	[tilespmem:$0x1380] =	vst v63  }
0x14: {  	vm0 =	vmmov $0xffff;
	s21 =	simm.s32 $0x1200;
	s22 =	simm.s32 $0x1  }
0x15: {  	v41 =	vor.u32 $0x1, v1;
	[tilespmem:s21], [sflag:$0x1] =	stream.indirect_vreg.gather [hbm4b:s8+s4], $0x1, v0, vm0, $0xb8;
	[tilespmem:$0x1380] =	vst v63  }
0x16: {  	_ =	swait.ge [sflag:s22], $0x800  }
0x17: {  	[sflag:s22] =	ssyncset.done $0x0  }
0x18: {  	[sflag:s22] =	ssyncadd.s32 $0xFFFFF800  }
0x19: {  	v1 =	vld.idx.msk [tilespmem:v1+s20+$0x0], $0xffff  }
0x1a: {  	v0 =	vld.idx.msk [tilespmem:v41+s20+$0x0], $0xffff;
	_ =	sdelay $0x4  }
0x1b: {  	v2 =	vmul.f32 $1.998000000e+03, v1;
	v3 =	vadd.f32 v0, v0;
	_ =	sdelay $0x1  }
0x1c: {  	v4 =	vadd.f32 v3, v2;
	v1 =	vmul.f32 v2, v1;
	v0 =	vmul.f32 v3, v0;
	_ =	sdelay $0x1  }
0x1d: {  	v42 =	vmul.f32 v4, v4;
	v0 =	vadd.f32 v0, v1;
	_ =	sdelay $0x1  }
0x1e: {  	v0 =	vsub.f32 v42, v0  }
0x1f: {  	_ =	swait.ge [sflag:s22], $0x10  }
0x20: {  	(xrf2) =	vadd.scan.msk.f32 $0xffff, v0;
	_ =	sdelay $0x9  }
0x21: {  	v0, _, _ =	vpop (xrf2)  }
0x22: {  	(v2sf) =	vpush v0, $0xF;
	_ =	sdelay $0xd  }
0x23: {  	[sflag:s22] =	ssyncset.done $0x0  }
0x24: {  	[sflag:s22] =	ssyncadd.s32 $0xFFFFFFF0;
	s23 =	spop (v2sf)  }
0x25: {  	v43 =	vld [tilespmem:$0x1200];
	_ =	swait.ge [sflag:s22], $0x40  }
0x26: {  	[sflag:s22] =	ssyncset.done $0x0  }
0x27: {  	[sflag:s22] =	ssyncadd.s32 $0xFFFFFFC0  }
0x28: {  	_ =	swait.ge [sflag:s22], $0x40  }
0x29: {  	[sflag:s22] =	ssyncset.done $0x0  }
0x2a: {  	[sflag:s22] =	ssyncadd.s32 $0xFFFFFFC0  }
0x2b: {  	_ =	swait.ge [sflag:s22], $0x40  }
0x2c: {  	[sflag:s22] =	ssyncset.done $0x0  }
0x2d: {  	[sflag:s22] =	ssyncadd.s32 $0xFFFFFFC0  }
0x2e: {  	_ =	swait.ge [sflag:s22], $0x800  }
0x2f: {  	[sflag:s22] =	ssyncset.done $0x0  }
0x30: {  	[sflag:s22] =	ssyncadd.s32 $0xFFFFF800  }
0x31: {  	v44 =	vld [tilespmem:$0x80]  }
0x32: {  	v45 =	vld [tilespmem:$0x0];
	_ =	sdelay $0x3  }
0x33: {  	v1 =	vadd.s32 $0x3E8, v44;
	_ =	sdelay $0x3  }
0x34: {  	v2 =	vld.idx.msk [tilespmem:v45+s17+$0x0], $0xffff  }
0x35: {  	v1 =	vld.idx.msk [tilespmem:v1+s17+$0x0], $0xffff;
	_ =	sdelay $0x2  }
0x36: {  	s24 =	smul.f32 $5.000000000e-01, s23;
	_ =	sdelay $0x1  }
0x37: {  	v0 =	vadd.f32 s24, v43;
	v1 =	vadd.f32 v1, v2;
	_ =	sdelay $0x1  }
0x38: {  	v1 =	vadd.f32 v1, v0;
	_ =	sdelay $0x1  }
0x39: {  	v1 =	vsub.f32 $0.0e+00, v1;
	_ =	sdelay $0x1  }
0x3a: {  	v1 =	vmul.f32 $1.442695020e+00, v1;
	_ =	sdelay $0x1  }
0x3b: {  	(erf) = vpow2.f32 v1;
	_ =	sdelay $0x8  }
0x3c: {  	v1 =	vpop (erf)  }
0x3d: {  	v1 =	vadd.f32 $1.000000000e+00, v1;
	_ =	sdelay $0x1  }
0x3e: {  	(erf) = vrcp.f32 v1  }
0x3f: {  	v46 =	vld [tilespmem:$0x100]  }
0x40: {  	v47 =	vld [tilespmem:$0x90]  }
0x41: {  	v48 =	vld [tilespmem:$0x10];
	_ =	sdelay $0x3  }
0x42: {  	v49 =	vimm.f32 $0.0e+00;
	vm12 =	vgt.s32 v46, $0x2;
	v2 =	vadd.s32 $0x3E8, v47  }
0x43: {  	v51 =	vsel vm12, $0x3F800000, v49  }
0x44: {  	[tilespmem:$0x1300] =	vst v51;
	v50 =	vpop (erf)  }
0x45: {  	[tilespmem:$0x1280] =	vst v50  }
0x46: {  	v1 =	vld.idx.msk [tilespmem:v48+s17+$0x0], $0xffff  }
0x47: {  	v2 =	vld.idx.msk [tilespmem:v2+s17+$0x0], $0xffff;
	_ =	sdelay $0x4  }
0x48: {  	v1 =	vadd.f32 v2, v1;
	_ =	sdelay $0x1  }
0x49: {  	v1 =	vadd.f32 v1, v0;
	_ =	sdelay $0x1  }
0x4a: {  	v1 =	vsub.f32 $0.0e+00, v1;
	_ =	sdelay $0x1  }
0x4b: {  	v1 =	vmul.f32 $1.442695020e+00, v1;
	_ =	sdelay $0x1  }
0x4c: {  	(erf) = vpow2.f32 v1;
	_ =	sdelay $0x8  }
0x4d: {  	v1 =	vpop (erf)  }
0x4e: {  	v1 =	vadd.f32 $1.000000000e+00, v1;
	_ =	sdelay $0x1  }
0x4f: {  	(erf) = vrcp.f32 v1  }
0x50: {  	v52 =	vld [tilespmem:$0x110]  }
0x51: {  	v53 =	vld [tilespmem:$0xA0]  }
0x52: {  	v54 =	vld [tilespmem:$0x20];
	_ =	sdelay $0x3  }
0x53: {  	vm13 =	vgt.s32 v52, $0x2;
	v2 =	vadd.s32 $0x3E8, v53  }
0x54: {  	v56 =	vsel vm13, $0x3F800000, v49  }
0x55: {  	[tilespmem:$0x1310] =	vst v56;
	v55 =	vpop (erf)  }
0x56: {  	[tilespmem:$0x1290] =	vst v55  }
0x57: {  	v1 =	vld.idx.msk [tilespmem:v54+s17+$0x0], $0xffff  }
0x58: {  	v2 =	vld.idx.msk [tilespmem:v2+s17+$0x0], $0xffff;
	_ =	sdelay $0x4  }
0x59: {  	v1 =	vadd.f32 v2, v1;
	_ =	sdelay $0x1  }
0x5a: {  	v1 =	vadd.f32 v1, v0;
	_ =	sdelay $0x1  }
0x5b: {  	v1 =	vsub.f32 $0.0e+00, v1;
	_ =	sdelay $0x1  }
0x5c: {  	v1 =	vmul.f32 $1.442695020e+00, v1;
	_ =	sdelay $0x1  }
0x5d: {  	(erf) = vpow2.f32 v1;
	_ =	sdelay $0x8  }
0x5e: {  	v1 =	vpop (erf)  }
0x5f: {  	v1 =	vadd.f32 $1.000000000e+00, v1;
	_ =	sdelay $0x1  }
0x60: {  	(erf) = vrcp.f32 v1  }
0x61: {  	v57 =	vld [tilespmem:$0x120]  }
0x62: {  	v58 =	vld [tilespmem:$0xB0]  }
0x63: {  	v59 =	vld [tilespmem:$0x30];
	_ =	sdelay $0x3  }
0x64: {  	vm14 =	vgt.s32 v57, $0x2;
	v2 =	vadd.s32 $0x3E8, v58  }
0x65: {  	v61 =	vsel vm14, $0x3F800000, v49  }
0x66: {  	[tilespmem:$0x1320] =	vst v61;
	v60 =	vpop (erf)  }
0x67: {  	[tilespmem:$0x12A0] =	vst v60  }
0x68: {  	v1 =	vld.idx.msk [tilespmem:v59+s17+$0x0], $0xffff  }
0x69: {  	v2 =	vld.idx.msk [tilespmem:v2+s17+$0x0], $0xffff;
	_ =	sdelay $0x4  }
0x6a: {  	v1 =	vadd.f32 v2, v1;
	_ =	sdelay $0x1  }
0x6b: {  	v0 =	vadd.f32 v1, v0;
	_ =	sdelay $0x1  }
0x6c: {  	v0 =	vsub.f32 $0.0e+00, v0;
	_ =	sdelay $0x1  }
0x6d: {  	v0 =	vmul.f32 $1.442695020e+00, v0;
	_ =	sdelay $0x1  }
0x6e: {  	(erf) = vpow2.f32 v0;
	_ =	sdelay $0x8  }
0x6f: {  	v0 =	vpop (erf)  }
0x70: {  	v0 =	vadd.f32 $1.000000000e+00, v0;
	_ =	sdelay $0x1  }
0x71: {  	(erf) = vrcp.f32 v0;
	_ =	sdelay $0x1  }
0x72: {  	v62 =	vld [tilespmem:$0x130];
	_ =	sdelay $0x4  }
0x73: {  	vm15 =	vgt.s32 v62, $0x2  }
0x74: {  	v0 =	vsel vm15, $0x3F800000, v49  }
0x75: {  	s25 =	sshll.u32 s0, $0x3;
	[tilespmem:$0x1330] =	vst v0;
	v63 =	vpop (erf)  }
0x76: {  	s26 =	simm.s32 $0x1280;
	s2 =	sadd.s32 s2, s25;
	[tilespmem:$0x12B0] =	vst v63  }
0x77: {  	[hbm4b:s2+s4] =	stream.linear.scatter [tilespmem:s26], [sflag:$0x2], $0x40, $0x38;
	[tilespmem:$0x1380] =	vst v63  }
0x78: {  	s29 =	simm.s32 $0x1300;
	s30 =	simm.s32 $0x2;
	s28 =	sadd.s32 s3, s25  }
0x79: {  	[hbm4b:s28+s4] =	stream.linear.scatter [tilespmem:s29], [sflag:$0x3], $0x40, $0x38;
	[tilespmem:$0x1380] =	vst v63  }
0x7a: {  	_ =	swait.ge [sflag:s30], $0x40  }
0x7b: {  	[sflag:s30] =	ssyncset.done $0x0  }
0x7c: {  	s31 =	simm.s32 $0x3;
	[sflag:s30] =	ssyncadd.s32 $0xFFFFFFC0  }
0x7d: {  	_ =	swait.ge [sflag:s31], $0x40  }
0x7e: {  	[sflag:s31] =	ssyncset.done $0x0  }
0x7f: {  	[sflag:s31] =	ssyncadd.s32 $0xFFFFFFC0  }
0x80: {  	_ =	sfence.sel $0x180000  }
0x81: {  	[bflag:$0x0] =	sbarrier.arrive $0xFFFF  }
0x82: {  	p0 =	sne.s32 s0, $0x0;
	_ =	strace $0x90000047  }
0x83: {  	s0 =	sadd.s32 @!p0 $0x100000, s1;
	[bflag:$0x2] =	sbarrier.arrive $0xFFFF  }
0x84: {  	[sflag:s0] =	ssyncadd.tile.s32 @!p0 $0x1;
	_ =	shalt  }
.Lfunc_end2:
_tile_overlayer_lowered:
.L_overlay_start_2:
0x85: {  	(tag) =	ssettag $0x2  }
0x86: {  	s0 =	rddreg [dreg:$0x0];
	s2 =	stileid.u32  }
0x87: {  	s1 =	rddreg [dreg:$0x1];
	p0 =	sne.s32 s2, $0x0  }
0x88: {  	s3 =	rddreg [dreg:$0x2];
	[bflag:$0x3] =	sbarrier.arrive $0xFFFF;
	s2 =	simm.s32 @!p0 $0x1C04  }
0x89: {  	[timem:s3], [sflag:s2] =	dma.local @!p0 [hbm:s0], s1  }
0x8a: {  	s0 =	simm.s32 @!p0 $0x4  }
0x8b: {  	_ =	swait.ge @!p0 [sflag:s0], s1  }
0x8c: {  	s1 =	ssub.s32 @!p0 $0x0, s1;
	[sflag:s0] =	ssyncset.done @!p0 $0x0  }
0x8d: {  	[sflag:s0] =	ssyncadd.s32 @!p0 s1  }
0x8e: {  	[bflag:$0x3] =	sbarrier.arrive $0xFFFF  }
0x8f: {  	_ =	shalt  }

</sc_bundles>
